<compile_context>
chip_gen: v7x
topology: tpu7x:2x2x1
jax: 0.10.2.dev20260603
libtpu: 0.0.44.dev20260713+nightly
codegen_flags: <defaults>
</compile_context>

<pallas_src>
import functools

import jax
import jax.numpy as jnp
from jax import lax
from jax.experimental import pallas as pl
from jax.experimental.pallas import tpu as pltpu
from jax.experimental.pallas import tpu_sc as plsc

_EPS = 1e-09



def _table_repack_body(m_ref, v_ref, mo_ref, vo_ref):
    SB, F, T = m_ref.shape
    def repack(x):
        x2 = x.reshape(SB * F, T)
        return jnp.transpose(x2)

    mo_ref[...] = repack(m_ref[...])
    vo_ref[...] = repack(v_ref[...])


@functools.lru_cache(maxsize=None)
def _make_table_repack(N, T, F, SB):
    grid = (N // SB,)
    in_spec = pl.BlockSpec((SB, F, T), lambda i: (i, 0, 0))
    out_spec = pl.BlockSpec((T, SB * F), lambda i: (i, 0))
    out_shape = jax.ShapeDtypeStruct((N * T * F // (SB * F), SB * F),
                                     jnp.float32)
    return pl.pallas_call(
        _table_repack_body,
        grid=grid,
        in_specs=[in_spec, in_spec],
        out_specs=[out_spec, out_spec],
        out_shape=[out_shape, out_shape],
    )



@functools.lru_cache(maxsize=None)
def _make_sc_gather(NT, F, R):
    info = plsc.get_sparse_core_info()
    NW = info.num_cores * info.num_subcores
    NC = info.num_cores
    rows_per_w = R // NW
    assert rows_per_w * NW == R
    C = 3200
    assert rows_per_w % C == 0
    n_chunks = rows_per_w // C

    mesh = plsc.VectorSubcoreMesh(core_axis_name="c", subcore_axis_name="s")

    @functools.partial(
        pl.kernel,
        mesh=mesh,
        compiler_params=pltpu.CompilerParams(use_tc_tiling_on_sc=False),
        out_type=[
            jax.ShapeDtypeStruct((R, F), jnp.float32),
            jax.ShapeDtypeStruct((R, F), jnp.float32),
        ],
        scratch_types=[
            pltpu.VMEM((C,), jnp.int32),
            pltpu.VMEM((C, F), jnp.float32),
            pltpu.VMEM((C, F), jnp.float32),
            pltpu.SemaphoreType.DMA,
        ],
    )
    def sc_gather(means_hbm, vars_hbm, idx_hbm, means_out, vars_out,
                  idx_v, m_v, v_v, sem):
        wid = lax.axis_index("s") * NC + lax.axis_index("c")
        base = wid * rows_per_w

        def body(ci, carry):
            off = base + ci * C
            pltpu.sync_copy(idx_hbm.at[pl.ds(off, C)], idx_v)
            cm = pltpu.async_copy(means_hbm.at[idx_v], m_v, sem)
            cv = pltpu.async_copy(vars_hbm.at[idx_v], v_v, sem)
            cm.wait()
            cv.wait()
            pltpu.sync_copy(m_v, means_out.at[pl.ds(off, C)])
            pltpu.sync_copy(v_v, vars_out.at[pl.ds(off, C)])
            return carry

        lax.fori_loop(0, n_chunks, body, 0)

    return sc_gather



def _normalize_body(ts_ref, m_ref, v_ref, o_ref, mo_ref, vo_ref):
    LB, F, B = ts_ref.shape
    G = B // 64
    def tr(x):
        z = jnp.transpose(x)
        z5 = z.reshape(64, F, LB, G)
        return jnp.transpose(z5, (2, 1, 0, 3)).reshape(LB, F, B)

    m_t = tr(m_ref[...].reshape(LB * G, 1024))
    v_t = tr(v_ref[...].reshape(LB * G, 1024))
    mo_ref[...] = m_t
    vo_ref[...] = v_t
    o_ref[...] = (ts_ref[...] - m_t) / (jnp.sqrt(v_t) + _EPS)


@functools.lru_cache(maxsize=None)
def _make_normalize(L, F, B, LB):
    grid = (L // LB,)
    G = B // 64
    ts_spec = pl.BlockSpec((LB, F, B), lambda i: (i, 0, 0))
    g_spec = pl.BlockSpec((LB, G, 1024), lambda i: (i, 0, 0))
    shape = jax.ShapeDtypeStruct((L, F, B), jnp.float32)
    return pl.pallas_call(
        _normalize_body,
        grid=grid,
        in_specs=[ts_spec, g_spec, g_spec],
        out_specs=[ts_spec, ts_spec, ts_spec],
        out_shape=[shape, shape, shape],
    )



def kernel(ts_index, window_indices, ts, means_table, vars_table):
    B, L = window_indices.shape
    N, T, F = means_table.shape
    R = B * L
    SB = 128 // F

    mt_nat = jnp.transpose(means_table, (0, 2, 1))
    vt_nat = jnp.transpose(vars_table, (0, 2, 1))
    means_w, vars_w = _make_table_repack(N, T, F, SB)(mt_nat, vt_nat)
    means_flat = means_w.reshape(N * T, F)
    vars_flat = vars_w.reshape(N * T, F)

    s = ts_index.astype(jnp.int32)
    t = jnp.transpose(window_indices).astype(jnp.int32)
    g = ((s // SB) * (T * SB) + (s % SB))[None, :] + t * SB
    g_pi = jnp.transpose(g.reshape(L, 64, B // 64), (0, 2, 1)).reshape(L, B)
    flat_idx = g_pi.reshape(R)

    means_rows, vars_rows = _make_sc_gather(N * T, F, R)(
        means_flat, vars_flat, flat_idx)

    ts_p = jnp.transpose(ts, (1, 2, 0))
    LB = 4
    norm_p, means_p, vars_p = _make_normalize(L, F, B, LB)(
        ts_p,
        means_rows.reshape(L, B // 64, 1024),
        vars_rows.reshape(L, B // 64, 1024))

    return (jnp.transpose(norm_p, (2, 0, 1)),
            jnp.transpose(means_p, (2, 0, 1)),
            jnp.transpose(vars_p, (2, 0, 1)))

# --- scband reference (transcript-rebuilt; emitter-appended) ---
"""Pipeline reference for scband-gasnormalizer-23373212025496 (READ-ONLY COPY).

The authoritative reference and input builder live on the scoring server;
editing this copy changes nothing except your own understanding.
"""

import jax, jax.numpy as jnp
import numpy as np

EPS = 1e-09
B, L, F = 4096, 200, 16
N_SERIES, TS_LEN = 1000, 2048


def setup_inputs(seed: int = 0) -> dict:
    key = jax.random.key(seed)
    k1, k2, k3, k4, k5 = jax.random.split(key, 5)
    ts_index = jax.random.randint(k1, (B,), 0, N_SERIES)
    window_indices = jax.random.randint(k2, (B, L), 0, TS_LEN)
    ts = jax.random.normal(k3, (B, L, F), dtype=jnp.float32)
    # Stateful buffers computed during warm_up: per-series, per-timestep means and vars.
    # Modeled as stacked tables of shape (n_series, ts_length, n_features).
    means_table = jax.random.normal(k4, (N_SERIES, TS_LEN, F), dtype=jnp.float32)
    vars_table = jax.random.uniform(k5, (N_SERIES, TS_LEN, F), dtype=jnp.float32, minval=0.1, maxval=2.0)
    return {
        "ts_index": ts_index,
        "window_indices": window_indices,
        "ts": ts,
        "means_table": means_table,
        "vars_table": vars_table,
    }


def reference(ts_index, window_indices, ts, means_table, vars_table):
    # Per-batch-element double gather: means[ts_index[i]][window_indices[i]]
    # -> vectorized nested gather of shape (B, L, F)
    means = means_table[ts_index[:, None], window_indices]
    vars_ = vars_table[ts_index[:, None], window_indices]
    normalized_window = (ts - means) / (jnp.sqrt(vars_) + EPS)
    return (normalized_window, means, vars_)

if __name__ == "__main__":
    import jax
    _d = setup_inputs()
    print(jax.jit(kernel)(*tuple(_d.values())))

</pallas_src>

<mosaic_0001>
#map = affine_map<(d0, d1) -> (0, 0)>
#map1 = affine_map<(d0, d1) -> (0)>
module attributes {stable_mosaic.version = 14 : i64} {
  func.func @sc_gather(%arg0: i32, %arg1: i32, %arg2: memref<2048000x16xf32, #tpu.memory_space<hbm>>, %arg3: memref<2048000x16xf32, #tpu.memory_space<hbm>>, %arg4: memref<819200xi32, #tpu.memory_space<hbm>>, %arg5: memref<819200x16xf32, #tpu.memory_space<hbm>>, %arg6: memref<819200x16xf32, #tpu.memory_space<hbm>>, %arg7: memref<3200xi32, #tpu.memory_space<vmem>>, %arg8: memref<3200x16xf32, #tpu.memory_space<vmem>>, %arg9: memref<3200x16xf32, #tpu.memory_space<vmem>>, %arg10: memref<!tpu.dma_semaphore, #tpu.memory_space<semaphore_mem>>) attributes {dimension_semantics = [#tpu.dimension_semantics<core_parallel>, #tpu.dimension_semantics<subcore_parallel>], iteration_bounds = array<i64: 2, 16>, scalar_prefetch = 0 : i64, scratch_operands = 4 : i64, tpu.core_type = #tpu.core_type<sc_vector_subcore>, window_params = [{transform_indices = #map}, {transform_indices = #map}, {transform_indices = #map1}, {transform_indices = #map}, {transform_indices = #map}]} {
    %mul3A = arith.constant 2 : i32
    %mul3A_0 = arith.muli %arg1, %mul3A : i32
    %add3A = arith.addi %mul3A_0, %arg0 : i32
    %mul3A_1 = arith.constant 25600 : i32
    %mul3A_2 = arith.muli %add3A, %mul3A_1 : i32
    %scan3A = arith.constant 0 : i32
    %scan3A_3 = arith.constant 0 : i32
    %scan3A_4 = arith.constant 8 : i32
    %scan3A_5 = arith.addi %scan3A_3, %scan3A_4 : i32
    %scan3A_6 = arith.constant 1 : i32
    scf.for %scan3A_8 = %scan3A_3 to %scan3A_5 step %scan3A_6  : i32 {
      %mul3A_9 = arith.constant 3200 : i32
      %mul3A_10 = arith.muli %scan3A_8, %mul3A_9 : i32
      %add3A_11 = arith.addi %mul3A_2, %mul3A_10 : i32
      "tpu.region"() ({
        %run_scoped3A = tpu.sem_alloc : memref<!tpu.dma_semaphore, #tpu.memory_space<semaphore_mem>>
        %dma_start3A_22 = tpu.memref_slice %arg4[%add3A_11] : memref<819200xi32, #tpu.memory_space<hbm>> -> memref<3200xi32, #tpu.memory_space<hbm>>
        %dma_start3A_23 = tpu.memref_slice %arg4[%add3A_11] : memref<819200xi32, #tpu.memory_space<hbm>> -> memref<3200xi32, #tpu.memory_space<hbm>>
        tpu.enqueue_dma source(%dma_start3A_23 : memref<3200xi32, #tpu.memory_space<hbm>>) target(%arg7 : memref<3200xi32, #tpu.memory_space<vmem>>) target_semaphore(%run_scoped3A : memref<!tpu.dma_semaphore, #tpu.memory_space<semaphore_mem>>)
        %dma_wait3A_24 = tpu.memref_slice %arg4[%add3A_11] : memref<819200xi32, #tpu.memory_space<hbm>> -> memref<3200xi32, #tpu.memory_space<hbm>>
        %dma_wait3A_25 = tpu.memref_slice %arg4[%add3A_11] : memref<819200xi32, #tpu.memory_space<hbm>> -> memref<3200xi32, #tpu.memory_space<hbm>>
        tpu.wait_dma2 semaphore(%run_scoped3A : memref<!tpu.dma_semaphore, #tpu.memory_space<semaphore_mem>>) src(%dma_wait3A_25 : memref<3200xi32, #tpu.memory_space<hbm>>) dst(%arg7 : memref<3200xi32, #tpu.memory_space<vmem>>)
        tpu.yield
      }) : () -> ()
      %dma_start3A = arith.constant 0 : i32
      %dma_start3A_12 = arith.constant 0 : i32
      %dma_start3A_13 = tpu.memref_slice %arg2[%dma_start3A, %dma_start3A_12] : memref<2048000x16xf32, #tpu.memory_space<hbm>> -> memref<2048000x16xf32, #tpu.memory_space<hbm>>
      tpu.enqueue_indirect_dma source(%dma_start3A_13 : memref<2048000x16xf32, #tpu.memory_space<hbm>>) target(%arg8 : memref<3200x16xf32, #tpu.memory_space<vmem>>) offsets(%arg7 : memref<3200xi32, #tpu.memory_space<vmem>>) semaphore(%arg10 : memref<!tpu.dma_semaphore, #tpu.memory_space<semaphore_mem>>)
      %dma_start3A_14 = arith.constant 0 : i32
      %dma_start3A_15 = arith.constant 0 : i32
      %dma_start3A_16 = tpu.memref_slice %arg3[%dma_start3A_14, %dma_start3A_15] : memref<2048000x16xf32, #tpu.memory_space<hbm>> -> memref<2048000x16xf32, #tpu.memory_space<hbm>>
      tpu.enqueue_indirect_dma source(%dma_start3A_16 : memref<2048000x16xf32, #tpu.memory_space<hbm>>) target(%arg9 : memref<3200x16xf32, #tpu.memory_space<vmem>>) offsets(%arg7 : memref<3200xi32, #tpu.memory_space<vmem>>) semaphore(%arg10 : memref<!tpu.dma_semaphore, #tpu.memory_space<semaphore_mem>>)
      %dma_wait3A = arith.constant 0 : i32
      %dma_wait3A_17 = arith.constant 0 : i32
      %dma_wait3A_18 = tpu.memref_slice %arg2[%dma_wait3A, %dma_wait3A_17] : memref<2048000x16xf32, #tpu.memory_space<hbm>> -> memref<2048000x16xf32, #tpu.memory_space<hbm>>
      tpu.wait_indirect_dma semaphore(%arg10 : memref<!tpu.dma_semaphore, #tpu.memory_space<semaphore_mem>>) src(%dma_wait3A_18 : memref<2048000x16xf32, #tpu.memory_space<hbm>>) dst(%arg8 : memref<3200x16xf32, #tpu.memory_space<vmem>>)
      %dma_wait3A_19 = arith.constant 0 : i32
      %dma_wait3A_20 = arith.constant 0 : i32
      %dma_wait3A_21 = tpu.memref_slice %arg3[%dma_wait3A_19, %dma_wait3A_20] : memref<2048000x16xf32, #tpu.memory_space<hbm>> -> memref<2048000x16xf32, #tpu.memory_space<hbm>>
      tpu.wait_indirect_dma semaphore(%arg10 : memref<!tpu.dma_semaphore, #tpu.memory_space<semaphore_mem>>) src(%dma_wait3A_21 : memref<2048000x16xf32, #tpu.memory_space<hbm>>) dst(%arg9 : memref<3200x16xf32, #tpu.memory_space<vmem>>)
      "tpu.region"() ({
        %run_scoped3A = tpu.sem_alloc : memref<!tpu.dma_semaphore, #tpu.memory_space<semaphore_mem>>
        %dma_start3A_22 = arith.constant 0 : i32
        %dma_start3A_23 = tpu.memref_slice %arg5[%add3A_11, %dma_start3A_22] : memref<819200x16xf32, #tpu.memory_space<hbm>> -> memref<3200x16xf32, #tpu.memory_space<hbm>>
        %dma_start3A_24 = arith.constant 0 : i32
        %dma_start3A_25 = tpu.memref_slice %arg5[%add3A_11, %dma_start3A_24] : memref<819200x16xf32, #tpu.memory_space<hbm>> -> memref<3200x16xf32, #tpu.memory_space<hbm>>
        tpu.enqueue_dma source(%arg8 : memref<3200x16xf32, #tpu.memory_space<vmem>>) target(%dma_start3A_25 : memref<3200x16xf32, #tpu.memory_space<hbm>>) target_semaphore(%run_scoped3A : memref<!tpu.dma_semaphore, #tpu.memory_space<semaphore_mem>>)
        %dma_wait3A_26 = arith.constant 0 : i32
        %dma_wait3A_27 = tpu.memref_slice %arg5[%add3A_11, %dma_wait3A_26] : memref<819200x16xf32, #tpu.memory_space<hbm>> -> memref<3200x16xf32, #tpu.memory_space<hbm>>
        %dma_wait3A_28 = arith.constant 0 : i32
        %dma_wait3A_29 = tpu.memref_slice %arg5[%add3A_11, %dma_wait3A_28] : memref<819200x16xf32, #tpu.memory_space<hbm>> -> memref<3200x16xf32, #tpu.memory_space<hbm>>
        tpu.wait_dma2 semaphore(%run_scoped3A : memref<!tpu.dma_semaphore, #tpu.memory_space<semaphore_mem>>) src(%arg8 : memref<3200x16xf32, #tpu.memory_space<vmem>>) dst(%dma_wait3A_29 : memref<3200x16xf32, #tpu.memory_space<hbm>>)
        tpu.yield
      }) : () -> ()
      "tpu.region"() ({
        %run_scoped3A = tpu.sem_alloc : memref<!tpu.dma_semaphore, #tpu.memory_space<semaphore_mem>>
        %dma_start3A_22 = arith.constant 0 : i32
        %dma_start3A_23 = tpu.memref_slice %arg6[%add3A_11, %dma_start3A_22] : memref<819200x16xf32, #tpu.memory_space<hbm>> -> memref<3200x16xf32, #tpu.memory_space<hbm>>
        %dma_start3A_24 = arith.constant 0 : i32
        %dma_start3A_25 = tpu.memref_slice %arg6[%add3A_11, %dma_start3A_24] : memref<819200x16xf32, #tpu.memory_space<hbm>> -> memref<3200x16xf32, #tpu.memory_space<hbm>>
        tpu.enqueue_dma source(%arg9 : memref<3200x16xf32, #tpu.memory_space<vmem>>) target(%dma_start3A_25 : memref<3200x16xf32, #tpu.memory_space<hbm>>) target_semaphore(%run_scoped3A : memref<!tpu.dma_semaphore, #tpu.memory_space<semaphore_mem>>)
        %dma_wait3A_26 = arith.constant 0 : i32
        %dma_wait3A_27 = tpu.memref_slice %arg6[%add3A_11, %dma_wait3A_26] : memref<819200x16xf32, #tpu.memory_space<hbm>> -> memref<3200x16xf32, #tpu.memory_space<hbm>>
        %dma_wait3A_28 = arith.constant 0 : i32
        %dma_wait3A_29 = tpu.memref_slice %arg6[%add3A_11, %dma_wait3A_28] : memref<819200x16xf32, #tpu.memory_space<hbm>> -> memref<3200x16xf32, #tpu.memory_space<hbm>>
        tpu.wait_dma2 semaphore(%run_scoped3A : memref<!tpu.dma_semaphore, #tpu.memory_space<semaphore_mem>>) src(%arg9 : memref<3200x16xf32, #tpu.memory_space<vmem>>) dst(%dma_wait3A_29 : memref<3200x16xf32, #tpu.memory_space<hbm>>)
        tpu.yield
      }) : () -> ()
    }
    %scan3A_7 = arith.constant 8 : i32
    return
  }
}

module attributes {stable_mosaic.version = 14 : i64} {
  func.func @_table_repack_body(%arg0: i32, %arg1: memref<8x16x2048xf32, #tpu.memory_space<vmem>>, %arg2: memref<8x16x2048xf32, #tpu.memory_space<vmem>>, %arg3: memref<2048x128xf32, #tpu.memory_space<vmem>>, %arg4: memref<2048x128xf32, #tpu.memory_space<vmem>>) attributes {dimension_semantics = [#tpu.dimension_semantics<arbitrary>], iteration_bounds = array<i64: 125>, scalar_prefetch = 0 : i64, scratch_operands = 0 : i64, tpu.core_type = #tpu.core_type<tc>, window_params = [{transform_indices = @transform_0, window_bounds = array<i64: 8, 16, 2048>}, {transform_indices = @transform_1, window_bounds = array<i64: 8, 16, 2048>}, {transform_indices = @transform_2, window_bounds = array<i64: 2048, 128>}, {transform_indices = @transform_3, window_bounds = array<i64: 2048, 128>}]} {
    %get3A = arith.constant 0 : index
    %get3A_0 = arith.constant 0 : index
    %get3A_1 = arith.constant 0 : index
    %get3A_2 = vector.load %arg1[%get3A, %get3A_0, %get3A_1] : memref<8x16x2048xf32, #tpu.memory_space<vmem>>, vector<8x16x2048xf32>
    %reshape3A = vector.shape_cast %get3A_2 : vector<8x16x2048xf32> to vector<128x2048xf32>
    %transpose3A = tpu.transpose %reshape3A, [1, 0] : vector<128x2048xf32> -> vector<2048x128xf32>
    %swap3A = arith.constant 0 : index
    %swap3A_3 = arith.constant 0 : index
    %swap3A_4 = vector.load %arg3[%swap3A, %swap3A_3] : memref<2048x128xf32, #tpu.memory_space<vmem>>, vector<2048x128xf32>
    tpu.vector_store %arg3[%swap3A, %swap3A_3], %transpose3A {strides = array<i32>} : memref<2048x128xf32, #tpu.memory_space<vmem>>, vector<2048x128xf32>,
    %get3A_5 = arith.constant 0 : index
    %get3A_6 = arith.constant 0 : index
    %get3A_7 = arith.constant 0 : index
    %get3A_8 = vector.load %arg2[%get3A_5, %get3A_6, %get3A_7] : memref<8x16x2048xf32, #tpu.memory_space<vmem>>, vector<8x16x2048xf32>
    %reshape3A_9 = vector.shape_cast %get3A_8 : vector<8x16x2048xf32> to vector<128x2048xf32>
    %transpose3A_10 = tpu.transpose %reshape3A_9, [1, 0] : vector<128x2048xf32> -> vector<2048x128xf32>
    %swap3A_11 = arith.constant 0 : index
    %swap3A_12 = arith.constant 0 : index
    %swap3A_13 = vector.load %arg4[%swap3A_11, %swap3A_12] : memref<2048x128xf32, #tpu.memory_space<vmem>>, vector<2048x128xf32>
    tpu.vector_store %arg4[%swap3A_11, %swap3A_12], %transpose3A_10 {strides = array<i32>} : memref<2048x128xf32, #tpu.memory_space<vmem>>, vector<2048x128xf32>,
    return
  }
  func.func @transform_0(%arg0: i32) -> (i32, i32, i32) {
    %c0_i32 = arith.constant 0 : i32
    %c0_i32_0 = arith.constant 0 : i32
    %c0_i32_1 = arith.constant 0 : i32
    return %arg0, %c0_i32, %c0_i32_0 : i32, i32, i32
  }
  func.func @transform_1(%arg0: i32) -> (i32, i32, i32) {
    %c0_i32 = arith.constant 0 : i32
    %c0_i32_0 = arith.constant 0 : i32
    %c0_i32_1 = arith.constant 0 : i32
    return %arg0, %c0_i32, %c0_i32_0 : i32, i32, i32
  }
  func.func @transform_2(%arg0: i32) -> (i32, i32) {
    %c0_i32 = arith.constant 0 : i32
    %c0_i32_0 = arith.constant 0 : i32
    return %arg0, %c0_i32 : i32, i32
  }
  func.func @transform_3(%arg0: i32) -> (i32, i32) {
    %c0_i32 = arith.constant 0 : i32
    %c0_i32_0 = arith.constant 0 : i32
    return %arg0, %c0_i32 : i32, i32
  }
}

module attributes {stable_mosaic.version = 14 : i64} {
  func.func @_normalize_body(%arg0: i32, %arg1: memref<4x16x4096xf32, #tpu.memory_space<vmem>>, %arg2: memref<4x64x1024xf32, #tpu.memory_space<vmem>>, %arg3: memref<4x64x1024xf32, #tpu.memory_space<vmem>>, %arg4: memref<4x16x4096xf32, #tpu.memory_space<vmem>>, %arg5: memref<4x16x4096xf32, #tpu.memory_space<vmem>>, %arg6: memref<4x16x4096xf32, #tpu.memory_space<vmem>>) attributes {dimension_semantics = [#tpu.dimension_semantics<arbitrary>], iteration_bounds = array<i64: 50>, scalar_prefetch = 0 : i64, scratch_operands = 0 : i64, tpu.core_type = #tpu.core_type<tc>, window_params = [{transform_indices = @transform_0, window_bounds = array<i64: 4, 16, 4096>}, {transform_indices = @transform_1, window_bounds = array<i64: 4, 64, 1024>}, {transform_indices = @transform_2, window_bounds = array<i64: 4, 64, 1024>}, {transform_indices = @transform_3, window_bounds = array<i64: 4, 16, 4096>}, {transform_indices = @transform_4, window_bounds = array<i64: 4, 16, 4096>}, {transform_indices = @transform_5, window_bounds = array<i64: 4, 16, 4096>}]} {
    %get3A = arith.constant 0 : index
    %get3A_0 = arith.constant 0 : index
    %get3A_1 = arith.constant 0 : index
    %get3A_2 = vector.load %arg2[%get3A, %get3A_0, %get3A_1] : memref<4x64x1024xf32, #tpu.memory_space<vmem>>, vector<4x64x1024xf32>
    %reshape3A = vector.shape_cast %get3A_2 : vector<4x64x1024xf32> to vector<256x1024xf32>
    %transpose3A = tpu.transpose %reshape3A, [1, 0] : vector<256x1024xf32> -> vector<1024x256xf32>
    %reshape3A_3 = vector.shape_cast %transpose3A : vector<1024x256xf32> to vector<64x16x4x64xf32>
    %transpose3A_4 = tpu.transpose %reshape3A_3, [2, 1, 0, 3] : vector<64x16x4x64xf32> -> vector<4x16x64x64xf32>
    %reshape3A_5 = vector.shape_cast %transpose3A_4 : vector<4x16x64x64xf32> to vector<4x16x4096xf32>
    %get3A_6 = arith.constant 0 : index
    %get3A_7 = arith.constant 0 : index
    %get3A_8 = arith.constant 0 : index
    %get3A_9 = vector.load %arg3[%get3A_6, %get3A_7, %get3A_8] : memref<4x64x1024xf32, #tpu.memory_space<vmem>>, vector<4x64x1024xf32>
    %reshape3A_10 = vector.shape_cast %get3A_9 : vector<4x64x1024xf32> to vector<256x1024xf32>
    %transpose3A_11 = tpu.transpose %reshape3A_10, [1, 0] : vector<256x1024xf32> -> vector<1024x256xf32>
    %reshape3A_12 = vector.shape_cast %transpose3A_11 : vector<1024x256xf32> to vector<64x16x4x64xf32>
    %transpose3A_13 = tpu.transpose %reshape3A_12, [2, 1, 0, 3] : vector<64x16x4x64xf32> -> vector<4x16x64x64xf32>
    %reshape3A_14 = vector.shape_cast %transpose3A_13 : vector<4x16x64x64xf32> to vector<4x16x4096xf32>
    %swap3A = arith.constant 0 : index
    %swap3A_15 = arith.constant 0 : index
    %swap3A_16 = arith.constant 0 : index
    %swap3A_17 = vector.load %arg5[%swap3A, %swap3A_15, %swap3A_16] : memref<4x16x4096xf32, #tpu.memory_space<vmem>>, vector<4x16x4096xf32>
    tpu.vector_store %arg5[%swap3A, %swap3A_15, %swap3A_16], %reshape3A_5 {strides = array<i32>} : memref<4x16x4096xf32, #tpu.memory_space<vmem>>, vector<4x16x4096xf32>,
    %swap3A_18 = arith.constant 0 : index
    %swap3A_19 = arith.constant 0 : index
    %swap3A_20 = arith.constant 0 : index
    %swap3A_21 = vector.load %arg6[%swap3A_18, %swap3A_19, %swap3A_20] : memref<4x16x4096xf32, #tpu.memory_space<vmem>>, vector<4x16x4096xf32>
    tpu.vector_store %arg6[%swap3A_18, %swap3A_19, %swap3A_20], %reshape3A_14 {strides = array<i32>} : memref<4x16x4096xf32, #tpu.memory_space<vmem>>, vector<4x16x4096xf32>,
    %get3A_22 = arith.constant 0 : index
    %get3A_23 = arith.constant 0 : index
    %get3A_24 = arith.constant 0 : index
    %get3A_25 = vector.load %arg1[%get3A_22, %get3A_23, %get3A_24] : memref<4x16x4096xf32, #tpu.memory_space<vmem>>, vector<4x16x4096xf32>
    %sub3A = arith.subf %get3A_25, %reshape3A_5 : vector<4x16x4096xf32>
    %sqrt3A = math.sqrt %reshape3A_14 : vector<4x16x4096xf32>
    %add3A = arith.constant 9.99999971E-10 : f32
    %add3A_26 = vector.broadcast %add3A : f32 to vector<4x16x4096xf32>
    %add3A_27 = arith.addf %sqrt3A, %add3A_26 : vector<4x16x4096xf32>
    %div3A = arith.divf %sub3A, %add3A_27 : vector<4x16x4096xf32>
    %swap3A_28 = arith.constant 0 : index
    %swap3A_29 = arith.constant 0 : index
    %swap3A_30 = arith.constant 0 : index
    %swap3A_31 = vector.load %arg4[%swap3A_28, %swap3A_29, %swap3A_30] : memref<4x16x4096xf32, #tpu.memory_space<vmem>>, vector<4x16x4096xf32>
    tpu.vector_store %arg4[%swap3A_28, %swap3A_29, %swap3A_30], %div3A {strides = array<i32>} : memref<4x16x4096xf32, #tpu.memory_space<vmem>>, vector<4x16x4096xf32>,
    return
  }
  func.func @transform_0(%arg0: i32) -> (i32, i32, i32) {
    %c0_i32 = arith.constant 0 : i32
    %c0_i32_0 = arith.constant 0 : i32
    %c0_i32_1 = arith.constant 0 : i32
    return %arg0, %c0_i32, %c0_i32_0 : i32, i32, i32
  }
  func.func @transform_1(%arg0: i32) -> (i32, i32, i32) {
    %c0_i32 = arith.constant 0 : i32
    %c0_i32_0 = arith.constant 0 : i32
    %c0_i32_1 = arith.constant 0 : i32
    return %arg0, %c0_i32, %c0_i32_0 : i32, i32, i32
  }
  func.func @transform_2(%arg0: i32) -> (i32, i32, i32) {
    %c0_i32 = arith.constant 0 : i32
    %c0_i32_0 = arith.constant 0 : i32
    %c0_i32_1 = arith.constant 0 : i32
    return %arg0, %c0_i32, %c0_i32_0 : i32, i32, i32
  }
  func.func @transform_3(%arg0: i32) -> (i32, i32, i32) {
    %c0_i32 = arith.constant 0 : i32
    %c0_i32_0 = arith.constant 0 : i32
    %c0_i32_1 = arith.constant 0 : i32
    return %arg0, %c0_i32, %c0_i32_0 : i32, i32, i32
  }
  func.func @transform_4(%arg0: i32) -> (i32, i32, i32) {
    %c0_i32 = arith.constant 0 : i32
    %c0_i32_0 = arith.constant 0 : i32
    %c0_i32_1 = arith.constant 0 : i32
    return %arg0, %c0_i32, %c0_i32_0 : i32, i32, i32
  }
  func.func @transform_5(%arg0: i32) -> (i32, i32, i32) {
    %c0_i32 = arith.constant 0 : i32
    %c0_i32_0 = arith.constant 0 : i32
    %c0_i32_1 = arith.constant 0 : i32
    return %arg0, %c0_i32, %c0_i32_0 : i32, i32, i32
  }
}

</mosaic_0001>

<sc_bundles>
// kernel: kernel.5.cloned.1.call-start
scs
__scs_entry_jumppad:
0x0: {  	(pc) =	sbr.rel $0x88, $3  }
0x1: {  	(tag) =	ssettag $0x0;
	lr =	simm.s32 $0x1  }
0x2: {  	[smem:$0x3F9C] =	sst lr;
	_ =	strace $0xD0000000  }
0x3: {  	_ = 	snop  }
0x4: {  	_ = 	snop  }
0x5: {  	_ = 	snop  }
0x6: {  	_ = 	snop  }
0x7: {  	_ = 	snop  }
__scs_overlays_trampoline_lowered:
0x8: {  	[smem:$0x3FAB] =	sst s0  }
0x9: {  	[smem:$0x3FAC] =	sst s1  }
0xa: {  	[smem:$0x3FAD] =	sst s2  }
0xb: {  	[smem:$0x3FAE] =	sst s3  }
0xc: {  	[smem:$0x3FAF] =	sst s4  }
0xd: {  	[smem:$0x3FB0] =	sst s5  }
0xe: {  	[smem:$0x3FB1] =	sst s6  }
0xf: {  	[smem:$0x3FB2] =	sst s7  }
0x10: {  	[smem:$0x3FB3] =	sst s8  }
0x11: {  	[smem:$0x3FB4] =	sst s9;
	s0 =	simm.s32 @!p0 $0x0  }
0x12: {  	s1 =	sld [smem:$0x3F9A];
	s0 =	simm.s32 @p0 $0x1  }
0x13: {  	[smem:$0x3FB5] =	sst s0;
	s0 =	simm.s32 @!p1 $0x0  }
0x14: {  	s2 =	sld [smem:$0x3F99];
	s0 =	simm.s32 @p1 $0x1  }
0x15: {  	[smem:$0x3FB6] =	sst s0;
	s0 =	simm.s32 @!p2 $0x0  }
0x16: {  	s3 =	sld [smem:$0x3FDB];
	s0 =	simm.s32 @p2 $0x1  }
0x17: {  	s4 =	simm.s32 $0x1BF5;
	[smem:$0x3FB8] =	sst s0  }
0x18: {  	s0 =	sld [smem:$0x3F9B];
	_ =	swait.ge [sflag:s4], $0x0  }
0x19: {  	s7 =	sld [smem:$0x3F9C]  }
0x1a: {  	s8 =	sadd.s32 $0xFFFFE003, lr  }
0x1b: {  	s9 =	sadd.s32 $0xFFFFFEF7, lr;
	s5 =	simm.s32 $0xFFFFFFFF;
	p2 =	slt.u32 s8, $0xFFFFF086  }
0x1c: {  	p1 =	slt.u32 s9, $0xF7A;
	s5 =	simm.s32 @!p2 $0x0  }
0x1d: {  	s5 =	simm.s32 @p1 $0x1;
	p0 =	seq.s32 s7, s2  }
0x1e: {  	s7 =	smul.u32 @!p0 $0xF7A, s2;
	p2 =	seq.s32 @!p0 s5, $0x0  }
0x1f: {  	s9 =	smul.u32 $0xF7A, s1;
	s8 =	simm.s32 @!p0 $0x1BF5;
	p2 =	por !p2, p0  }
0x20: {  	[sflag:s8] =	ssyncset.s32 @!p0 $0xFFFFF086;
	s6 =	sadd.s32 @!p0 s3, s7;
	s7 =	simm.s32 @!p0 $0x108  }
0x21: {  	s3 =	sadd.s32 s3, s9;
	s6 =	sadd.s32 @!p0 $0x88, s6;
	s7 =	simm.s32 @p2 $0x1082  }
0x22: {  	[simem:s7], [sflag:s8] =	dma.local @!p0 [hbm:s6], $0xF7A  }
0x23: {  	s9 =	sor.u32 $0xD0000000, s2;
	s6 =	simm.s32 $0x108;
	_ =	swait.ge @!p0 [sflag:s8], $0x0  }
0x24: {  	s3 =	sadd.s32 $0x88, s3;
	s6 =	simm.s32 @!p1 $0x1082;
	[sflag:s4] =	ssyncset.s32 $0xFFFFF086  }
0x25: {  	[simem:s6], [sflag:s4] =	dma.local [hbm:s3], $0xF7A  }
0x26: {  	[smem:$0x3F9C] =	sst s1;
	(tag) =	ssettag s2;
	_ =	strace s9  }
0x27: {  	s1 =	sld [smem:$0x3FAC]  }
0x28: {  	s2 =	sld [smem:$0x3FAD]  }
0x29: {  	s4 =	sld [smem:$0x3FAF]  }
0x2a: {  	p0 =	seq.s32 s5, $0x0;
	s5 =	sld [smem:$0x3FB0]  }
0x2b: {  	s6 =	sld [smem:$0x3FB1]  }
0x2c: {  	s7 =	sld [smem:$0x3FB2]  }
0x2d: {  	s3 =	simm.s32 $0x108;
	s8 =	sld [smem:$0x3FB3]  }
0x2e: {  	s3 =	simm.s32 @!p0 $0x1082;
	s9 =	sld [smem:$0x3FB4]  }
0x2f: {  	lr =	sadd.s32 s0, s3;
	s0 =	sld [smem:$0x3FAB]  }
0x30: {  	s3 =	sld [smem:$0x3FAE]  }
0x31: {  	[smem:$0x3FB7] =	sst s10  }
0x32: {  	s10 =	sld [smem:$0x3FB5];
	_ =	sdelay $0x3  }
0x33: {  	p0 =	seq.s32 s10, $0x1;
	s10 =	sld [smem:$0x3FB7];
	_ =	sdelay $0x3  }
0x34: {  	[smem:$0x3FB7] =	sst s10  }
0x35: {  	s10 =	sld [smem:$0x3FB6];
	_ =	sdelay $0x3  }
0x36: {  	p1 =	seq.s32 s10, $0x1;
	s10 =	sld [smem:$0x3FB7];
	_ =	sdelay $0x3  }
0x37: {  	[smem:$0x3FB7] =	sst s10  }
0x38: {  	s10 =	sld [smem:$0x3FB8]  }
0x39: {  	_ = 	snop;
	(pc) =	sbr.ind lr, $3  }
0x3a: {  	_ = 	snop  }
0x3b: {  	_ = 	snop  }
0x3c: {  	p2 =	seq.s32 s10, $0x1;
	s10 =	sld [smem:$0x3FB7]  }
0x3d: {  	_ =	shalt  }
0x3e: {  	_ =	shalt  }
0x3f: {  	_ =	shalt  }
0x40: {  	_ =	shalt  }
0x41: {  	_ =	shalt  }
0x42: {  	_ =	shalt  }
0x43: {  	_ =	shalt  }
0x44: {  	_ =	shalt  }
0x45: {  	_ =	shalt  }
0x46: {  	_ =	shalt  }
0x47: {  	_ =	shalt  }
0x48: {  	_ =	shalt  }
0x49: {  	_ =	shalt  }
0x4a: {  	_ =	shalt  }
0x4b: {  	_ =	shalt  }
0x4c: {  	_ =	shalt  }
0x4d: {  	_ =	shalt  }
0x4e: {  	_ =	shalt  }
0x4f: {  	_ =	shalt  }
0x50: {  	_ =	shalt  }
0x51: {  	_ =	shalt  }
0x52: {  	_ =	shalt  }
0x53: {  	_ =	shalt  }
0x54: {  	_ =	shalt  }
0x55: {  	_ =	shalt  }
0x56: {  	_ =	shalt  }
0x57: {  	_ =	shalt  }
0x58: {  	_ =	shalt  }
0x59: {  	_ =	shalt  }
0x5a: {  	_ =	shalt  }
0x5b: {  	_ =	shalt  }
0x5c: {  	_ =	shalt  }
0x5d: {  	_ =	shalt  }
0x5e: {  	_ =	shalt  }
0x5f: {  	_ =	shalt  }
0x60: {  	_ =	shalt  }
0x61: {  	_ =	shalt  }
0x62: {  	_ =	shalt  }
0x63: {  	_ =	shalt  }
0x64: {  	_ =	shalt  }
0x65: {  	_ =	shalt  }
0x66: {  	_ =	shalt  }
0x67: {  	_ =	shalt  }
0x68: {  	_ =	shalt  }
0x69: {  	_ =	shalt  }
0x6a: {  	_ =	shalt  }
0x6b: {  	_ =	shalt  }
0x6c: {  	_ =	shalt  }
0x6d: {  	_ =	shalt  }
0x6e: {  	_ =	shalt  }
0x6f: {  	_ =	shalt  }
0x70: {  	_ =	shalt  }
0x71: {  	_ =	shalt  }
0x72: {  	_ =	shalt  }
0x73: {  	_ =	shalt  }
0x74: {  	_ =	shalt  }
0x75: {  	_ =	shalt  }
0x76: {  	_ =	shalt  }
0x77: {  	_ =	shalt  }
0x78: {  	_ =	shalt  }
0x79: {  	_ =	shalt  }
0x7a: {  	_ =	shalt  }
0x7b: {  	_ =	shalt  }
0x7c: {  	_ =	shalt  }
0x7d: {  	_ =	shalt  }
0x7e: {  	_ =	shalt  }
0x7f: {  	_ =	shalt  }
0x80: {  	_ =	shalt  }
0x81: {  	_ =	shalt  }
0x82: {  	_ =	shalt  }
0x83: {  	_ =	shalt  }
0x84: {  	_ =	shalt  }
0x85: {  	_ =	shalt  }
0x86: {  	_ =	shalt  }
0x87: {  	_ =	shalt  }
.Lfunc_end0:
.L_simem_size_0:
called_computation_lowered:
.L_overlay_start_0:
0x88: {  	s2 =	sld [smem:$0x3FD9]  }
0x89: {  	s3 =	sld [smem:$0x3FFE];
	_ =	sdelay $0x1  }
0x8a: {  	s1 =	srdreg.scid  }
0x8b: {  	s0 =	sand.u32 $0x1, s1  }
0x8c: {  	s14 =	sshll.u32 s0, $0xA;
	s2 =	sadd.s32 s3, s2  }
0x8d: {  	s2 =	sadd.s32 s2, s14  }
0x8e: {  	[smem:$0x3FC3] =	sst s2  }
0x8f: {  	_ = 	snop  }
0x90: {  	s2 =	sld [smem:$0x3FD0];
	_ =	sdelay $0x2  }
0x91: {  	s15 =	simm.s32 $0xA;
	s4 =	simm.s32 $0x10  }
0x92: {  	[smem:s4], [sflag:s15] =	dma.local [hbm:s2], $0x1  }
0x93: {  	_ =	swait.eq [sflag:s15], $0x1  }
0x94: {  	s16 =	sld [smem:$0x10];
	[sflag:s15] =	ssyncset.done $0x0  }
0x95: {  	s17 =	sld [smem:$0x11];
	[sflag:s15] =	ssyncadd.s32 $0xFFFFFFFF  }
0x96: {  	s18 =	sld [smem:$0x12];
	(tm) =	ssettm $0x1  }
0x97: {  	s5 =	sld [smem:$0x3FFB];
	_ =	sdelay $0x3  }
0x98: {  	_ =	strace s5  }
0x99: {  	s5 =	sld [smem:$0x3FFC];
	_ =	sdelay $0x3  }
0x9a: {  	_ =	strace s5  }
0x9b: {  	s5 =	sld [smem:$0x3FFD];
	_ =	sdelay $0x3  }
0x9c: {  	_ =	strace s5  }
0x9d: {  	_ =	strace $0x8FFFFFFF  }
0x9e: {  	s19 =	sld [smem:$0x3FDB];
	_ =	sdelay $0x1  }
0x9f: {  	s6 =	simm.s32 $_scs_section_size  }
0xa0: {  	s7 =	simm.s32 $_size__tile_overlayer_lowered;
	s8 =	simm.s32 $_tile_overlayer_lowered  }
0xa1: {  	s22 =	simm.s32 $0x1BFF;
	s21 =	sshll.u32 s8, $0x1;
	s5 =	sadd.s32 s6, s19  }
0xa2: {  	s9 =	simm.s32 $0x0;
	s20 =	sshll.u32 s7, $0x1;
	s7 =	sadd.s32 s21, s5  }
0xa3: {  	[timem:s9], [sflag:s22] =	dma.local [hbm:s7], s20  }
0xa4: {  	_ =	swait.ge [sflag:s22], s20  }
0xa5: {  	s6 =	ssub.s32 $0x0, s20;
	[sflag:s22] =	ssyncset.done $0x0  }
0xa6: {  	[sflag:s22] =	ssyncadd.s32 s6;
	_ =	sdelay $0x1  }
0xa7: {  	s23 =	simm.s32 $0x1B8B  }
0xa8: {  	_ =	swait.ge [sflag:s23], $0x1  }
0xa9: {  	[sflag:s23] =	ssyncset.done $0x0  }
0xaa: {  	s25 =	simm.s32 $0x1B8E;
	s24 =	sld [smem:$0x3FFE];
	[sflag:s23] =	ssyncadd.s32 $0xFFFFFFFF  }
0xab: {  	s26 =	simm.s32 $execute0_lowered;
	[smem:$0x3FD2] =	sst s25  }
0xac: {  	s7 =	sshll.u32 s26, $0x1;
	_ =	strace $0x80000046;
	[dreg:$0x1] =	wrdreg $0xFFFFFFFF  }
0xad: {  	s28 =	simm.s32 $_size_execute0_lowered;
	s5 =	sadd.s32 s5, s7;
	[dreg:$0x0] =	wrdreg $0x0  }
0xae: {  	s7 =	sshll.u32 s28, $0x1;
	[dreg:$0x2] =	wrdreg s5  }
0xaf: {  	[dreg:$0x3] =	wrdreg s7  }
0xb0: {  	[dreg:$0x4] =	wrdreg $0xC0  }
0xb1: {  	_ =	task [dreg:s9], $0x5FFFF  }
0xb2: {  	[dreg:$0x1] =	wrdreg $0xFFFFFFFF  }
0xb3: {  	[dreg:$0x0] =	wrdreg $0x60  }
0xb4: {  	[dreg:$0x2] =	wrdreg s24  }
0xb5: {  	[dreg:$0x3] =	wrdreg s16  }
0xb6: {  	[dreg:$0x4] =	wrdreg s18  }
0xb7: {  	[dreg:$0x5] =	wrdreg s17  }
0xb8: {  	[dreg:$0x6] =	wrdreg $0x9  }
0xb9: {  	_ =	task.clear_ibuf [dreg:s9], $0x7FFFF;
	_ =	strace $0x90000046  }
0xba: {  	s29 =	simm.s32 $0x9;
	_ =	strace $0x80000048  }
0xbb: {  	_ =	swait.ge [sflag:s29], $0x1  }
0xbc: {  	[sflag:s29] =	ssyncadd.s32 $0xFFFFFFFF  }
0xbd: {  	_ =	strace $0x90000048  }
0xbe: {  	_ =	sfence  }
0xbf: {  	s30 =	sld [smem:$0x0];
	_ =	sdelay $0x2  }
0xc0: {  	s31 =	sshll.u32 s1, $0xD;
	s1 =	sshrl.u32 s1, $0x2  }
0xc1: {  	s3 =	sand.u32 $0x4000, s31;
	s1 =	sadd.s32 s1, s30  }
0xc2: {  	s0 =	sor.u32 s3, s0;
	s1 =	sshll.u32 s1, $0x11  }
0xc3: {  	s0 =	sor.u32 s1, s0  }
0xc4: {  	s0 =	sadd.s32 $0x8F2B, s0  }
0xc5: {  	[sflag:s0] =	ssyncadd.remote.s32 $0x1  }
0xc6: {  	_ =	sfence.sel $0xFFFF  }
0xc7: {  	[dreg:$0x0] =	wrdreg $0xFFFFFFFF;
	(pc) =	sbr.abs _section_cstart, $3  }
0xc8: {  	[dreg:$0x1] =	wrdreg $0xFFFFFFFF  }
0xc9: {  	_ =	task.clear_ibuf [dreg:s9], $0x2FFFF;
	_ =	strace $0x9FFFFFFF  }
0xca: {  	(tm) =	ssettm $0x7FFFFFFF  }
0xcb: {  	_ =	shalt  }
tec
execute0_lowered:
.L_overlay_start_1:
0x0: {  	(tag) =	ssettag $0x1  }
0x1: {  	s4 =	rddreg [dreg:$0x0]  }
0x2: {  	s8 =	rddreg [dreg:$0x1]  }
0x3: {  	s6 =	rddreg [dreg:$0x2]  }
0x4: {  	s7 =	rddreg [dreg:$0x3]  }
0x5: {  	s0 =	rddreg [dreg:$0x4];
	s3 =	srdreg.scid  }
0x6: {  	s2 =	simm.s32 $0x0;
	s1 =	stileid.u32;
	s13 =	simm.s32 $0x0  }
0x7: {  	s9 =	sand.u32 $0x1, s3;
	[smem:$0x7FF] =	sst s2;
	s10 =	smul.u32 $0x19000, s1  }
0x8: {  	s12 =	smul.u32 $0xC800, s1;
	s3 =	sadd.s32 $0xC00, s4;
	s4 =	sadd.s32 $0x3E8C00, s4  }
0x9: {  	s5 =	ssub.s32 $0x2, s9;
	_ =	strace $0x80000047;
	s30 =	smul.u32 $0x6400, s9  }
0xa: {  	s9 =	smul.u32 $0xC800, s9;
	s11 =	sshrl.u32 s5, $0x1;
	s7 =	sadd.s32 s10, s7  }
0xb: {  	s10 =	sadd.s32 s10, s6;
	s5 =	ssub.s32 s5, s11;
	s11 =	sadd.s32 s30, s12  }
0xc: {  	s6 =	sadd.s32 s9, s7;
	s7 =	sadd.s32 s9, s10;
	s9 =	simm.s32 $0x2  }
0xd: {  	s10 =	simm.s32 $0xC80;
	s12 =	simm.s32 $0x1;
	s31 =	sshrl.u32 s11, $0x3  }
0xe: {  	s5 =	smax.u32 s5, $0x1;
	s11 =	simm.s32 $0xD480;
	s8 =	sadd.s32 s31, s8  }
.LBB2_1:
0xf: {  	[tilespmem:s2], [sflag:$0x2] =	stream.linear.gather [hbm4b:s8+s2], $0xC80, $0x38;
	[tilespmem:$0x19C80] =	vst v63  }
0x10: {  	_ =	swait.ge [sflag:s9], $0xC80  }
0x11: {  	[sflag:s9] =	ssyncset.done $0x0  }
0x12: {  	[sflag:s9] =	ssyncadd.s32 $0xFFFFF380  }
0x13: {  	[tilespmem:s10], [sflag:$0x1] =	stream.indirect.gather [hbm4b:s3+s10], $0x10, s2, s10, $0xb8;
	[tilespmem:$0x19C80] =	vst v63  }
0x14: {  	_ = 	snop  }
0x15: {  	[tilespmem:s11], [sflag:$0x1] =	stream.indirect.gather [hbm4b:s4+s10], $0x10, s2, s10, $0xb8;
	[tilespmem:$0x19C80] =	vst v63  }
0x16: {  	_ =	swait.ge [sflag:s12], $0xC800  }
0x17: {  	[sflag:s12] =	ssyncset.done $0x0  }
0x18: {  	[sflag:s12] =	ssyncadd.s32 $0xFFFF3800  }
0x19: {  	_ =	swait.ge [sflag:s12], $0xC800  }
0x1a: {  	[sflag:s12] =	ssyncset.done $0x0  }
0x1b: {  	s14 =	sadd.s32 $0x0, s7;
	[sflag:s12] =	ssyncadd.s32 $0xFFFF3800  }
0x1c: {  	[hbm4b:s14+s2] =	stream.linear.scatter [tilespmem:s10], [sflag:$0x2], $0xC800, $0x38;
	[tilespmem:$0x19C80] =	vst v63  }
0x1d: {  	_ =	swait.ge [sflag:s9], $0xC800  }
0x1e: {  	[sflag:s9] =	ssyncset.done $0x0  }
0x1f: {  	s31 =	sadd.s32 $0x0, s6;
	[sflag:s9] =	ssyncadd.s32 $0xFFFF3800  }
0x20: {  	[hbm4b:s31+s2] =	stream.linear.scatter [tilespmem:s11], [sflag:$0x2], $0xC800, $0x38;
	[tilespmem:$0x19C80] =	vst v63  }
0x21: {  	_ =	swait.ge [sflag:s9], $0xC800  }
0x22: {  	s15 =	smov.u32 s8;
	s14 =	simm.s32 $0x1900;
	[sflag:s9] =	ssyncset.done $0x0  }
.LBB2_2:
0x23: {  	p0 =	sne.s32 s14, $0xAF00;
	[sflag:s9] =	ssyncadd.s32 $0xFFFF3800;
	s15 =	sadd.s32 $0x190, s15  }
0x24: {  	[tilespmem:s2], [sflag:$0x2] =	stream.linear.gather [hbm4b:s15+s2], $0xC80, $0x38;
	[tilespmem:$0x19C80] =	vst v63  }
0x25: {  	s16 =	smov.u32 s14;
	s14 =	sadd.s32 $0x1900, s14;
	_ =	swait.ge [sflag:s9], $0xC80  }
0x26: {  	[sflag:s9] =	ssyncset.done $0x0  }
0x27: {  	[sflag:s9] =	ssyncadd.s32 $0xFFFFF380  }
0x28: {  	[tilespmem:s10], [sflag:$0x1] =	stream.indirect.gather [hbm4b:s3+s10], $0x10, s2, s10, $0xb8;
	[tilespmem:$0x19C80] =	vst v63  }
0x29: {  	_ = 	snop  }
0x2a: {  	[tilespmem:s11], [sflag:$0x1] =	stream.indirect.gather [hbm4b:s4+s10], $0x10, s2, s10, $0xb8;
	[tilespmem:$0x19C80] =	vst v63  }
0x2b: {  	_ =	swait.ge [sflag:s12], $0xC800  }
0x2c: {  	[sflag:s12] =	ssyncset.done $0x0  }
0x2d: {  	[sflag:s12] =	ssyncadd.s32 $0xFFFF3800  }
0x2e: {  	_ =	swait.ge [sflag:s12], $0xC800  }
0x2f: {  	[sflag:s12] =	ssyncset.done $0x0  }
0x30: {  	s17 =	sadd.s32 s16, s7;
	[sflag:s12] =	ssyncadd.s32 $0xFFFF3800  }
0x31: {  	[hbm4b:s17+s2] =	stream.linear.scatter [tilespmem:s10], [sflag:$0x2], $0xC800, $0x38;
	[tilespmem:$0x19C80] =	vst v63  }
0x32: {  	_ =	swait.ge [sflag:s9], $0xC800  }
.Ltmp0:
0x33: {  	[sflag:s9] =	ssyncset.done $0x0;
	(pc) =	sbr.rel @p0 .LBB2_2-.Ltmp0, $4  }
0x34: {  	s16 =	sadd.s32 s16, s6;
	[sflag:s9] =	ssyncadd.s32 $0xFFFF3800  }
0x35: {  	[hbm4b:s16+s2] =	stream.linear.scatter [tilespmem:s11], [sflag:$0x2], $0xC800, $0x38;
	[tilespmem:$0x19C80] =	vst v63  }
0x36: {  	_ =	swait.ge [sflag:s9], $0xC800  }
0x37: {  	[sflag:s9] =	ssyncset.done $0x0  }
0x38: {  	s13 =	sadd.s32 $0x1, s13  }
0x39: {  	p0 =	sne.s32 s13, s5  }
.Ltmp1:
0x3a: {  	_ = 	snop;
	(pc) =	sbr.rel @p0 .LBB2_1-.Ltmp1, $2  }
0x3b: {  	_ =	sdelay $0x2  }
0x3c: {  	[sflag:s9] =	ssyncadd.s32 $0xFFFF3800  }
0x3d: {  	_ =	sfence.sel $0x180000  }
0x3e: {  	[bflag:$0x0] =	sbarrier.arrive $0xFFFF  }
0x3f: {  	p0 =	sne.s32 s1, $0x0;
	_ =	strace $0x90000047  }
0x40: {  	s0 =	sadd.s32 @!p0 $0x100000, s0;
	[bflag:$0x2] =	sbarrier.arrive $0xFFFF  }
0x41: {  	[sflag:s0] =	ssyncadd.tile.s32 @!p0 $0x1;
	_ =	shalt  }
.Lfunc_end2:
_tile_overlayer_lowered:
.L_overlay_start_2:
0x42: {  	(tag) =	ssettag $0x2  }
0x43: {  	s0 =	rddreg [dreg:$0x0];
	s2 =	stileid.u32  }
0x44: {  	s1 =	rddreg [dreg:$0x1];
	p0 =	sne.s32 s2, $0x0  }
0x45: {  	s3 =	rddreg [dreg:$0x2];
	[bflag:$0x3] =	sbarrier.arrive $0xFFFF;
	s2 =	simm.s32 @!p0 $0x1C02  }
0x46: {  	[timem:s3], [sflag:s2] =	dma.local @!p0 [hbm:s0], s1  }
0x47: {  	s0 =	simm.s32 @!p0 $0x2  }
0x48: {  	_ =	swait.ge @!p0 [sflag:s0], s1  }
0x49: {  	s1 =	ssub.s32 @!p0 $0x0, s1;
	[sflag:s0] =	ssyncset.done @!p0 $0x0  }
0x4a: {  	[sflag:s0] =	ssyncadd.s32 @!p0 s1  }
0x4b: {  	[bflag:$0x3] =	sbarrier.arrive $0xFFFF  }
0x4c: {  	_ =	shalt  }

</sc_bundles>
